<compile_context>
chip_gen: v7x
topology: tpu7x:2x2x1
jax: 0.10.2.dev20260603
libtpu: 0.0.44.dev20260713+nightly
codegen_flags: <defaults>
</compile_context>

<pallas_src>
import functools

import jax
import jax.numpy as jnp
import numpy as np
from jax import lax
from jax.experimental import pallas as pl
from jax.experimental.pallas import tpu as pltpu
from jax.experimental.pallas import tpu_sc as plsc

F = 32
NUM_BASIS = 32
CUTOFF = 3.0

NC = 2
NS = 16
NW = NC * NS
CHUNK = 128
GRAN = NW * CHUNK


def _pad_to(x, m, axis=0):
    n = x.shape[axis]
    p = (-n) % m
    if p == 0:
        return x
    pw = [(0, 0)] * x.ndim
    pw[axis] = (0, p)
    return jnp.pad(x, pw)



D = 5


@functools.partial(jax.jit, static_argnames=("width",))
def sc_gather(table, idx2d, width):
    kp = idx2d.shape[0] * CHUNK
    per_w = kp // NW
    nch = per_w // CHUNK
    mesh = plsc.VectorSubcoreMesh(core_axis_name="c", subcore_axis_name="s")
    pipelined = nch % (2 * D) == 0

    @functools.partial(
        pl.kernel,
        out_type=jax.ShapeDtypeStruct((kp, width), jnp.float32),
        mesh=mesh,
        scratch_types=[
            pltpu.VMEM((nch, CHUNK), jnp.int32),
            pltpu.VMEM((2, D * CHUNK, width), jnp.float32),
            pltpu.SemaphoreType.DMA,
            pltpu.SemaphoreType.DMA,
            pltpu.SemaphoreType.DMA,
            pltpu.SemaphoreType.DMA,
        ],
        compiler_params=pltpu.CompilerParams(use_tc_tiling_on_sc=False),
    )
    def k(table_hbm, idx_hbm, out_hbm, idxs, rows, sg0, sg1, ss0, ss1):
        wid = lax.axis_index("s") * NC + lax.axis_index("c")
        cb = wid * nch
        pltpu.sync_copy(idx_hbm.at[pl.ds(cb, nch)], idxs)

        if not pipelined:
            def body(i, _):
                pltpu.async_copy(table_hbm.at[idxs.at[i]],
                                 rows.at[0, pl.ds(0, CHUNK)], sg0).wait()
                pltpu.sync_copy(rows.at[0, pl.ds(0, CHUNK)],
                                out_hbm.at[pl.ds((cb + i) * CHUNK, CHUNK)])
                return 0
            lax.fori_loop(0, nch, body, 0)
            return

        niter = nch // (2 * D)

        def do_group(i, half, sg, ss):
            g = i * 2 + half
            @pl.when(i > 0)
            def _():
                pltpu.make_async_copy(
                    rows.at[half], out_hbm.at[pl.ds(0, D * CHUNK)], ss).wait()
            descs = []
            for j in range(D):
                descs.append(pltpu.async_copy(
                    table_hbm.at[idxs.at[g * D + j]],
                    rows.at[half, pl.ds(j * CHUNK, CHUNK)], sg))
            for dsc in descs:
                dsc.wait()
            pltpu.async_copy(rows.at[half],
                             out_hbm.at[pl.ds((cb + g * D) * CHUNK, D * CHUNK)], ss)

        def body(i, _):
            do_group(i, 0, sg0, ss0)
            do_group(i, 1, sg1, ss1)
            return 0

        lax.fori_loop(0, niter, body, 0)
        pltpu.make_async_copy(rows.at[0], out_hbm.at[pl.ds(0, D * CHUNK)], ss0).wait()
        pltpu.make_async_copy(rows.at[1], out_hbm.at[pl.ds(0, D * CHUNK)], ss1).wait()

    return k(table, idx2d)


@functools.partial(jax.jit, static_argnames=("racc", "width"))
def sc_scatter_add(rows, idx2d, racc, width):
    kp = idx2d.shape[0] * CHUNK
    half = kp // 2
    per_tile = half // NS
    nch = per_tile // CHUNK
    zr = racc // NS
    mesh = plsc.VectorSubcoreMesh(core_axis_name="c", subcore_axis_name="s")
    zrows = jnp.zeros((zr, width), jnp.float32)

    pipelined = nch % (2 * D) == 0

    @functools.partial(
        pl.kernel,
        out_type=jax.ShapeDtypeStruct((2, racc, width), jnp.float32),
        mesh=mesh,
        scratch_types=[
            pltpu.VMEM((nch, CHUNK), jnp.int32),
            pltpu.VMEM((2, D * CHUNK, width), jnp.float32),
            pltpu.VMEM_SHARED((racc, width), jnp.float32),
            pltpu.SemaphoreType.DMA,
            pltpu.SemaphoreType.DMA,
        ],
        compiler_params=pltpu.CompilerParams(use_tc_tiling_on_sc=False),
    )
    def k(rows_hbm, idx_hbm, z_hbm, out_hbm, idxs, rows_v, acc, sl0, sl1):
        c = lax.axis_index("c")
        s = lax.axis_index("s")
        pltpu.sync_copy(z_hbm, acc.at[pl.ds(s * zr, zr)])
        cb = (c * half + s * per_tile) // CHUNK
        pltpu.sync_copy(idx_hbm.at[pl.ds(cb, nch)], idxs)
        plsc.subcore_barrier()

        if not pipelined:
            def body(i, _):
                pltpu.sync_copy(rows_hbm.at[pl.ds((cb + i) * CHUNK, CHUNK)],
                                rows_v.at[0, pl.ds(0, CHUNK)])
                pltpu.sync_copy(rows_v.at[0, pl.ds(0, CHUNK)],
                                acc.at[idxs.at[i]], add=True)
                return 0
            lax.fori_loop(0, nch, body, 0)
        else:
            niter = nch // (2 * D)

            def load(g, half, sl):
                return pltpu.async_copy(
                    rows_hbm.at[pl.ds((cb + g * D) * CHUNK, D * CHUNK)],
                    rows_v.at[half], sl)

            def scat(i, g, half, sl):
                pltpu.make_async_copy(
                    rows_hbm.at[pl.ds(0, D * CHUNK)], rows_v.at[half], sl).wait()
                for j in range(D):
                    pltpu.sync_copy(rows_v.at[half, pl.ds(j * CHUNK, CHUNK)],
                                    acc.at[idxs.at[g * D + j]], add=True)

            load(0, 0, sl0)

            def body(i, _):
                g0 = 2 * i
                load(g0 + 1, 1, sl1)
                scat(i, g0, 0, sl0)

                @pl.when(i < niter - 1)
                def _():
                    load(g0 + 2, 0, sl0)
                scat(i, g0 + 1, 1, sl1)
                return 0

            lax.fori_loop(0, niter, body, 0)

        plsc.subcore_barrier()
        pltpu.sync_copy(acc.at[pl.ds(s * zr, zr)], out_hbm.at[c, pl.ds(s * zr, zr)])

    return k(rows, idx2d, zrows)


@functools.partial(jax.jit, static_argnames=("racc",))
def sc_fused_gms(table, gidx2d, glin, sidx2d, racc):
    kp = gidx2d.shape[0] * CHUNK
    per_w = kp // NW
    nch = per_w // CHUNK
    ngr = nch // D
    assert nch % (2 * D) == 0
    zr = racc // NS
    mesh = plsc.VectorSubcoreMesh(core_axis_name="c", subcore_axis_name="s")
    zrows = jnp.zeros((zr, F), jnp.float32)
    nrow = D * CHUNK

    @functools.partial(
        pl.kernel,
        out_type=[
            jax.ShapeDtypeStruct((2, racc, F), jnp.float32),
            jax.ShapeDtypeStruct((kp, F), jnp.float32),
        ],
        mesh=mesh,
        scratch_types=[
            pltpu.VMEM((nch, CHUNK), jnp.int32),
            pltpu.VMEM((nch, CHUNK), jnp.int32),
            pltpu.VMEM((2, nrow, F), jnp.float32),
            pltpu.VMEM((2, nrow, F), jnp.float32),
            pltpu.VMEM_SHARED((racc, F), jnp.float32),
            pltpu.SemaphoreType.DMA,
            pltpu.SemaphoreType.DMA,
            pltpu.SemaphoreType.DMA,
            pltpu.SemaphoreType.DMA,
            pltpu.SemaphoreType.DMA,
            pltpu.SemaphoreType.DMA,
        ],
        compiler_params=pltpu.CompilerParams(use_tc_tiling_on_sc=False),
    )
    def k(table_hbm, gidx_hbm, glin_hbm, sidx_hbm, z_hbm, outp_hbm, outg_hbm,
          gidxs, sidxs, rows, gv, acc, sg0, sg1, sl0, sl1, ss0, ss1):
        c = lax.axis_index("c")
        s = lax.axis_index("s")
        wid = s * NC + c
        cb = wid * nch
        pltpu.sync_copy(z_hbm, acc.at[pl.ds(s * zr, zr)])
        pltpu.sync_copy(gidx_hbm.at[pl.ds(cb, nch)], gidxs)
        pltpu.sync_copy(sidx_hbm.at[pl.ds(cb, nch)], sidxs)
        plsc.subcore_barrier()

        def fire(g, half, sg, sl):
            for j in range(D):
                pltpu.async_copy(table_hbm.at[gidxs.at[g * D + j]],
                                 rows.at[half, pl.ds(j * CHUNK, CHUNK)], sg)
            pltpu.async_copy(glin_hbm.at[pl.ds((cb + g * D) * CHUNK, nrow)],
                             gv.at[half], sl)

        def consume(i, g, half, sg, sl, ss):
            for j in range(D):
                pltpu.make_async_copy(
                    table_hbm.at[gidxs.at[0]],
                    rows.at[half, pl.ds(j * CHUNK, CHUNK)], sg).wait()
            pltpu.make_async_copy(glin_hbm.at[pl.ds(0, nrow)], gv.at[half], sl).wait()
            @pl.when(i > 0)
            def _():
                pltpu.make_async_copy(
                    rows.at[half], outg_hbm.at[pl.ds(0, nrow)], ss).wait()
            pltpu.async_copy(rows.at[half],
                             outg_hbm.at[pl.ds((cb + g * D) * CHUNK, nrow)], ss)
            def mul(ii, _):
                for hh in range(F // 16):
                    sl_ = pl.ds(hh * 16, 16)
                    gv[half, ii, sl_] = rows[half, ii, sl_] * gv[half, ii, sl_]
                return 0
            lax.fori_loop(0, nrow, mul, 0)
            for j in range(D):
                pltpu.sync_copy(gv.at[half, pl.ds(j * CHUNK, CHUNK)],
                                acc.at[sidxs.at[g * D + j]], add=True)

        fire(0, 0, sg0, sl0)

        def body(i, _):
            g0 = 2 * i
            fire(g0 + 1, 1, sg1, sl1)
            consume(i, g0, 0, sg0, sl0, ss0)

            @pl.when(i < ngr // 2 - 1)
            def _():
                fire(g0 + 2, 0, sg0, sl0)
            consume(i, g0 + 1, 1, sg1, sl1, ss1)
            return 0

        lax.fori_loop(0, ngr // 2, body, 0)
        pltpu.make_async_copy(rows.at[0], outg_hbm.at[pl.ds(0, nrow)], ss0).wait()
        pltpu.make_async_copy(rows.at[1], outg_hbm.at[pl.ds(0, nrow)], ss1).wait()
        plsc.subcore_barrier()
        pltpu.sync_copy(acc.at[pl.ds(s * zr, zr)], outp_hbm.at[c, pl.ds(s * zr, zr)])

    return k(table, gidx2d, glin, sidx2d, zrows)



_LOGC = None


def _logc():
    global _LOGC
    if _LOGC is None:
        from scipy.special import gammaln as _g
        kk = np.arange(NUM_BASIS, dtype=np.float64)
        nn = float(NUM_BASIS)
        _LOGC = (_g(nn) - _g(kk + 1.0) - _g(nn - kk)).astype(np.float32)
    return _LOGC


def _radial_parts(ps_blk, pd_blk, logc):
    disp = ps_blk[:, 0:3] - pd_blk[:, 0:3]
    d2 = jnp.sum(disp * disp, axis=1, keepdims=True)
    d = jnp.sqrt(d2 + 1e-12)
    t_raw = 1.0 - 1.0 / (1.0 + d)
    t = jnp.clip(t_raw, 1e-6, 1.0 - 1e-6)
    kvec = lax.broadcasted_iota(jnp.int32, (1, NUM_BASIS), 1).astype(jnp.float32)
    radial0 = jnp.exp(logc + kvec * jnp.log(t) + (NUM_BASIS - 1.0 - kvec) * jnp.log1p(-t))
    r = d / CUTOFF
    inside = r < 1.0
    safe = jnp.where(inside, 1.0 - r * r, 1.0)
    cut = jnp.where(inside, jnp.exp(1.0 - 1.0 / safe), 0.0)
    return disp, d, t_raw, t, kvec, radial0, r, inside, safe, cut


def tc_geom_fwd(pos2, ep, wfour, logc, be=2048):
    nj = ep // be

    def body(ps_ref, pd_ref, w_ref, lc_ref, g0_ref, g1_ref, dr_ref, vd_ref):
        disp16 = ps_ref[...] - pd_ref[...]
        disp, d, t_raw, t, kvec, radial0, r, inside, safe, cut = _radial_parts(
            ps_ref[...], pd_ref[...], lc_ref[...])
        radial = radial0 * cut
        gg = jnp.dot(radial, w_ref[...], preferred_element_type=jnp.float32)
        g0_ref[...] = gg[:, 0:F] + gg[:, F:2 * F]
        g1_ref[...] = gg[:, 2 * F:3 * F] + gg[:, 3 * F:4 * F]
        ok = (t_raw >= 1e-6) & (t_raw <= 1.0 - 1e-6)
        tp2 = jnp.where(ok, 1.0 / ((1.0 + d) * (1.0 + d)), 0.0)
        bern_dt = kvec / t - (NUM_BASIS - 1.0 - kvec) / (1.0 - t)
        dcut_dd = jnp.where(inside, cut * (-2.0 * r / (safe * safe)) / CUTOFF, 0.0)
        dr_ref[...] = radial0 * (cut * bern_dt * tp2 + dcut_dd)
        vd_ref[...] = disp16 / d

    return pl.pallas_call(
        body,
        grid=(nj,),
        in_specs=[
            pl.BlockSpec((be, 16), lambda j: (j, 0)),
            pl.BlockSpec((be, 16), lambda j: (j + nj, 0)),
            pl.BlockSpec((F, 4 * F), lambda j: (0, 0)),
            pl.BlockSpec((1, F), lambda j: (0, 0)),
        ],
        out_specs=[
            pl.BlockSpec((be, F), lambda j: (j, 0)),
            pl.BlockSpec((be, F), lambda j: (j, 0)),
            pl.BlockSpec((be, F), lambda j: (j, 0)),
            pl.BlockSpec((be, 16), lambda j: (j, 0)),
        ],
        out_shape=[
            jax.ShapeDtypeStruct((ep, F), jnp.float32),
            jax.ShapeDtypeStruct((ep, F), jnp.float32),
            jax.ShapeDtypeStruct((ep, F), jnp.float32),
            jax.ShapeDtypeStruct((ep, 16), jnp.float32),
        ],
    )(pos2, pos2, wfour, logc)


def tc_edge_mul(rows, gg, which, be=2048):
    ep = rows.shape[0]

    def body(r_ref, g_ref, o_ref):
        o_ref[...] = r_ref[...] * g_ref[...][:, which * F:(which + 1) * F]

    return pl.pallas_call(
        body,
        grid=(ep // be,),
        in_specs=[
            pl.BlockSpec((be, F), lambda j: (j, 0)),
            pl.BlockSpec((be, 2 * F), lambda j: (j, 0)),
        ],
        out_specs=pl.BlockSpec((be, F), lambda j: (j, 0)),
        out_shape=jax.ShapeDtypeStruct((ep, F), jnp.float32),
    )(rows, gg)


def tc_edge_bwd1(qd1, gg, xs1, be=2048):
    ep = qd1.shape[0]

    def body(q_ref, g_ref, x_ref, d_ref, a_ref):
        q = q_ref[...]
        d_ref[...] = q * g_ref[...][:, F:2 * F]
        a_ref[...] = q * x_ref[...]

    return pl.pallas_call(
        body,
        grid=(ep // be,),
        in_specs=[
            pl.BlockSpec((be, F), lambda j: (j, 0)),
            pl.BlockSpec((be, 2 * F), lambda j: (j, 0)),
            pl.BlockSpec((be, F), lambda j: (j, 0)),
        ],
        out_specs=[
            pl.BlockSpec((be, F), lambda j: (j, 0)),
            pl.BlockSpec((be, F), lambda j: (j, 0)),
        ],
        out_shape=[
            jax.ShapeDtypeStruct((ep, F), jnp.float32),
            jax.ShapeDtypeStruct((ep, F), jnp.float32),
        ],
    )(qd1, gg, xs1)


def tc_mlp_fwd(x_in, part, wd1, bd1, wd2, n, bn=1000):

    def body(x_ref, p0_ref, p1_ref, w1_ref, b1_ref, w2_ref, xo_ref, a_ref):
        x = x_ref[...]
        u = x + p0_ref[0] + p1_ref[0]
        a = jnp.dot(u, w1_ref[...], preferred_element_type=jnp.float32) + b1_ref[...]
        g = jax.nn.sigmoid(a)
        xo_ref[...] = x + jnp.dot(a * g, w2_ref[...], preferred_element_type=jnp.float32)
        a_ref[...] = a

    racc = part.shape[1]
    return pl.pallas_call(
        body,
        grid=(n // bn,),
        in_specs=[
            pl.BlockSpec((bn, F), lambda j: (j, 0)),
            pl.BlockSpec((1, bn, F), lambda j: (0, j, 0)),
            pl.BlockSpec((1, bn, F), lambda j: (1, j, 0)),
            pl.BlockSpec((F, F), lambda j: (0, 0)),
            pl.BlockSpec((1, F), lambda j: (0, 0)),
            pl.BlockSpec((F, F), lambda j: (0, 0)),
        ],
        out_specs=[
            pl.BlockSpec((bn, F), lambda j: (j, 0)),
            pl.BlockSpec((bn, F), lambda j: (j, 0)),
        ],
        out_shape=[
            jax.ShapeDtypeStruct((n, F), jnp.float32),
            jax.ShapeDtypeStruct((n, F), jnp.float32),
        ],
    )(x_in, part, part, wd1, bd1.reshape(1, F), wd2)


def tc_mlp_l1(x1, part, embeb, wd1, bd1, wd2, w_out, n, bn=1000):

    def body(x_ref, p0_ref, p1_ref, eb_ref, w1_ref, b1_ref, w2_ref, wo_ref,
             q_ref, en_ref):
        j = pl.program_id(0)
        x = x_ref[...]
        u = x + p0_ref[0] + p1_ref[0]
        a = jnp.dot(u, w1_ref[...], preferred_element_type=jnp.float32) + b1_ref[...]
        g = jax.nn.sigmoid(a)
        wo = wo_ref[...]
        x2 = x + jnp.dot(a * g, w2_ref[...], preferred_element_type=jnp.float32)
        s = (jnp.sum(jnp.dot(x2, wo, preferred_element_type=jnp.float32))
             + jnp.sum(eb_ref[...][:, F:F + 1]))
        c1 = jnp.dot(w2_ref[...], wo, preferred_element_type=jnp.float32)
        da = c1[:, 0][None, :] * (g + a * g * (1.0 - g))
        q_ref[...] = jnp.dot(da, w1_ref[...].T, preferred_element_type=jnp.float32)
        prev = jnp.where(j == 0, 0.0, en_ref[0, 0])
        en_ref[...] = (prev + s).reshape(1, 1)

    return pl.pallas_call(
        body,
        grid=(n // bn,),
        in_specs=[
            pl.BlockSpec((bn, F), lambda j: (j, 0)),
            pl.BlockSpec((1, bn, F), lambda j: (0, j, 0)),
            pl.BlockSpec((1, bn, F), lambda j: (1, j, 0)),
            pl.BlockSpec((bn, 48), lambda j: (j, 0)),
            pl.BlockSpec((F, F), lambda j: (0, 0)),
            pl.BlockSpec((1, F), lambda j: (0, 0)),
            pl.BlockSpec((F, F), lambda j: (0, 0)),
            pl.BlockSpec((F, 1), lambda j: (0, 0)),
        ],
        out_specs=[
            pl.BlockSpec((bn, F), lambda j: (j, 0)),
            pl.BlockSpec((1, 1), lambda j: (0, 0)),
        ],
        out_shape=[
            jax.ShapeDtypeStruct((n, F), jnp.float32),
            jax.ShapeDtypeStruct((1, 1), jnp.float32),
        ],
    )(x1, part, part, embeb, wd1, bd1.reshape(1, F), wd2, w_out)


def tc_energy(x2, embeb, w_out, n):
    npg = embeb.shape[0]

    def body(x_ref, e_ref, w_ref, o_ref):
        ae = jnp.dot(x_ref[...], w_ref[...], preferred_element_type=jnp.float32)
        s = jnp.sum(ae) + jnp.sum(e_ref[...][0:n, F:F + 1])
        o_ref[...] = s.reshape(1, 1)

    return pl.pallas_call(
        body,
        grid=(1,),
        in_specs=[
            pl.BlockSpec((n, F), lambda j: (0, 0)),
            pl.BlockSpec((npg, 48), lambda j: (0, 0)),
            pl.BlockSpec((F, 1), lambda j: (0, 0)),
        ],
        out_specs=pl.BlockSpec((1, 1), lambda j: (0, 0)),
        out_shape=jax.ShapeDtypeStruct((1, 1), jnp.float32),
    )(x2, embeb, w_out)


def tc_bwd_top(a1, wd1_1, wd2_1, w_out, n, bn=1000):

    def body(a_ref, w1_ref, w2_ref, wo_ref, q_ref):
        a = a_ref[...]
        c1 = jnp.dot(w2_ref[...], wo_ref[...], preferred_element_type=jnp.float32)
        g = jax.nn.sigmoid(a)
        da = c1[:, 0][None, :] * (g + a * g * (1.0 - g))
        q_ref[...] = jnp.dot(da, w1_ref[...].T, preferred_element_type=jnp.float32)

    return pl.pallas_call(
        body,
        grid=(n // bn,),
        in_specs=[
            pl.BlockSpec((bn, F), lambda j: (j, 0)),
            pl.BlockSpec((F, F), lambda j: (0, 0)),
            pl.BlockSpec((F, F), lambda j: (0, 0)),
            pl.BlockSpec((F, 1), lambda j: (0, 0)),
        ],
        out_specs=pl.BlockSpec((bn, F), lambda j: (j, 0)),
        out_shape=jax.ShapeDtypeStruct((n, F), jnp.float32),
    )(a1, wd1_1, wd2_1, w_out)


def tc_bwd_mid(q1, sx, a0, wd1_0, wd2_0, w_out, n, bn=1000):

    def body(q_ref, s0_ref, s1_ref, a_ref, w1_ref, w2_ref, wo_ref, o_ref):
        dx1 = wo_ref[...][:, 0][None, :] + q_ref[...] + s0_ref[0] + s1_ref[0]
        dy3 = jnp.dot(dx1, w2_ref[...].T, preferred_element_type=jnp.float32)
        a = a_ref[...]
        g = jax.nn.sigmoid(a)
        da = dy3 * (g + a * g * (1.0 - g))
        o_ref[...] = jnp.dot(da, w1_ref[...].T, preferred_element_type=jnp.float32)

    return pl.pallas_call(
        body,
        grid=(n // bn,),
        in_specs=[
            pl.BlockSpec((bn, F), lambda j: (j, 0)),
            pl.BlockSpec((1, bn, F), lambda j: (0, j, 0)),
            pl.BlockSpec((1, bn, F), lambda j: (1, j, 0)),
            pl.BlockSpec((bn, F), lambda j: (j, 0)),
            pl.BlockSpec((F, F), lambda j: (0, 0)),
            pl.BlockSpec((F, F), lambda j: (0, 0)),
            pl.BlockSpec((F, 1), lambda j: (0, 0)),
        ],
        out_specs=pl.BlockSpec((bn, F), lambda j: (j, 0)),
        out_shape=jax.ShapeDtypeStruct((n, F), jnp.float32),
    )(q1, sx, sx, a0, wd1_0, wd2_0, w_out)


def tc_geom_bwd(qd0, e_src, qd1, xs1, wb, drdd, vd, be=2048):
    ep = qd0.shape[0]
    nj = ep // be

    def body(q_ref, e_ref, q1_ref, x1_ref, w_ref, dr_ref, vd_ref, o_ref):
        w = w_ref[...]
        a0e = q_ref[...] * e_ref[...]
        a1e = q1_ref[...] * x1_ref[...]
        dradial = (jnp.dot(a0e, w[:, 0:F].T, preferred_element_type=jnp.float32)
                   + jnp.dot(a0e, w[:, F:2 * F].T, preferred_element_type=jnp.float32)
                   + jnp.dot(a1e, w[:, 2 * F:3 * F].T, preferred_element_type=jnp.float32)
                   + jnp.dot(a1e, w[:, 3 * F:4 * F].T, preferred_element_type=jnp.float32))
        dd = jnp.sum(dradial * dr_ref[...], axis=1, keepdims=True)
        dp = dd * vd_ref[...]
        o_ref[...] = jnp.stack([-dp, dp], axis=0)

    return pl.pallas_call(
        body,
        grid=(nj,),
        in_specs=[
            pl.BlockSpec((be, F), lambda j: (j, 0)),
            pl.BlockSpec((be, F), lambda j: (j, 0)),
            pl.BlockSpec((be, F), lambda j: (j, 0)),
            pl.BlockSpec((be, F), lambda j: (j, 0)),
            pl.BlockSpec((F, 4 * F), lambda j: (0, 0)),
            pl.BlockSpec((be, F), lambda j: (j, 0)),
            pl.BlockSpec((be, 16), lambda j: (j, 0)),
        ],
        out_specs=pl.BlockSpec((2, be, 16), lambda j: (0, j, 0)),
        out_shape=jax.ShapeDtypeStruct((2, ep, 16), jnp.float32),
    )(qd0, e_src, qd1, xs1, wb, drdd, vd)


def tc_add_partials(fp, n, bn=1000):

    def body(p0_ref, p1_ref, o_ref):
        o_ref[...] = p0_ref[0] + p1_ref[0]

    return pl.pallas_call(
        body,
        grid=(n // bn,),
        in_specs=[
            pl.BlockSpec((1, bn, 16), lambda j: (0, j, 0)),
            pl.BlockSpec((1, bn, 16), lambda j: (1, j, 0)),
        ],
        out_specs=pl.BlockSpec((bn, 16), lambda j: (j, 0)),
        out_shape=jax.ShapeDtypeStruct((n, 16), jnp.float32),
    )(fp, fp)



def kernel(atomic_numbers, positions, dst_idx, src_idx, batch_segments, batch_size,
           embed, w_rad0, w_deg0, wd1_0, bd1_0, wd2_0, w_rad1, w_deg1, wd1_1, bd1_1,
           wd2_1, w_rad_last, w_out, element_bias):
    n = positions.shape[0]
    e = dst_idx.shape[0]
    npg = -(-n // GRAN) * GRAN
    ep = -(-e // GRAN) * GRAN
    racc = -(-(n + 1) // (NS * CHUNK)) * (NS * CHUNK)
    dummy = n

    z = atomic_numbers.astype(jnp.int32)
    src = src_idx.astype(jnp.int32)
    dst = dst_idx.astype(jnp.int32)

    emb48 = jnp.concatenate([
        embed.astype(jnp.float32),
        element_bias.astype(jnp.float32)[:, None],
        jnp.zeros((embed.shape[0], 15), jnp.float32)], axis=1)
    emb48 = _pad_to(emb48, CHUNK, axis=0)
    pos16 = jnp.pad(positions.astype(jnp.float32), ((0, 0), (0, 13)))
    zp = _pad_to(z, GRAN)
    srcp = _pad_to(src, GRAN)
    dstp = _pad_to(dst, GRAN)
    sd_cat = jnp.concatenate([srcp, dstp])
    evalid = jnp.arange(ep, dtype=jnp.int32) < e
    idx_sd = jnp.where(evalid, dstp, dummy)
    idx_ss = jnp.where(evalid, srcp, dummy)
    idx_f = jnp.concatenate([idx_ss, idx_sd])

    def i2d(a):
        return a.reshape(a.shape[0] // CHUNK, CHUNK)

    zp2, srcp2, dstp2 = i2d(zp), i2d(srcp), i2d(dstp)
    sd_cat2, idx_sd2, idx_ss2, idx_f2 = i2d(sd_cat), i2d(idx_sd), i2d(idx_ss), i2d(idx_f)
    wfour = jnp.concatenate([w_rad0, w_deg0, w_rad1, w_deg1], axis=1)
    logc = jnp.asarray(_logc()).reshape(1, F)

    embeb = sc_gather(emb48, zp2, 48)
    pos2 = sc_gather(pos16, sd_cat2, 16)
    emb_n = embeb[:n, 0:F]
    g0, g1, drdd, vd = tc_geom_fwd(pos2, ep, wfour, logc)

    y0p, e_src = sc_fused_gms(emb_n, srcp2, g0, idx_sd2, racc)
    x1, a0 = tc_mlp_fwd(emb_n, y0p, wd1_0, bd1_0, wd2_0, n)
    y1p, xs1 = sc_fused_gms(x1, srcp2, g1, idx_sd2, racc)
    q1, energy = tc_mlp_l1(x1, y1p, embeb, wd1_1, bd1_1, wd2_1, w_out, n)

    sxp, qd1 = sc_fused_gms(q1, dstp2, g1, idx_ss2, racc)
    q0 = tc_bwd_mid(q1, sxp, a0, wd1_0, wd2_0, w_out, n)
    qd0 = sc_gather(q0, dstp2, F)
    dd2 = tc_geom_bwd(qd0, e_src, qd1, xs1, wfour, drdd, vd)
    fpart = sc_scatter_add(dd2.reshape(2 * ep, 16), idx_f2, racc, 16)
    fpad = tc_add_partials(fpart, n)
    forces = fpad[:, 0:3]
    return energy.reshape(1), forces


def tc_edge_mul_rows(a, b, be=512):
    ep = a.shape[0]

    def body(a_ref, b_ref, o_ref):
        o_ref[...] = a_ref[...] * b_ref[...]

    return pl.pallas_call(
        body,
        grid=(ep // be,),
        in_specs=[
            pl.BlockSpec((be, F), lambda j: (j, 0)),
            pl.BlockSpec((be, F), lambda j: (j, 0)),
        ],
        out_specs=pl.BlockSpec((be, F), lambda j: (j, 0)),
        out_shape=jax.ShapeDtypeStruct((ep, F), jnp.float32),
    )(a, b)

# --- scband reference (transcript-rebuilt; emitter-appended) ---
"""Pipeline reference for scband-message-passing-model-7318624272528 (READ-ONLY COPY).

The authoritative reference and input builder live on the scoring server;
editing this copy changes nothing except your own understanding.
"""

import jax
import jax.numpy as jnp
import numpy as np
from jax.scipy.special import gammaln

N_NODES = 10000
N_EDGES = 160000
FEATURES = 32
NUM_BASIS = 32
CUTOFF = 3.0
NUM_LM = 9
MAX_Z = 118
BATCH_SIZE_STATIC = 1


def _spherical_harmonics(u):
    x, y, z = u[:, 0], u[:, 1], u[:, 2]
    one = jnp.ones_like(x)
    return jnp.stack([one, x, y, z, x * y, y * z, 3.0 * z * z - 1.0, x * z, x * x - y * y], axis=-1)


def _basis_fn(positions, dst_idx, src_idx):
    disp = positions[src_idx] - positions[dst_idx]
    d = jnp.sqrt(jnp.sum(disp * disp, axis=-1) + 1e-12)
    u = disp / (d[:, None] + 1e-9)
    sh = _spherical_harmonics(u)
    t = jnp.clip(1.0 - 1.0 / (1.0 + d), 1e-6, 1.0 - 1e-6)
    k = jnp.arange(NUM_BASIS, dtype=positions.dtype)
    n = float(NUM_BASIS)
    logc = gammaln(n) - gammaln(k + 1.0) - gammaln(n - k)
    radial = jnp.exp(logc[None, :] + k[None, :] * jnp.log(t)[:, None] + (n - 1.0 - k)[None, :] * jnp.log1p(-t)[:, None])
    r = d / CUTOFF
    inside = r < 1.0
    safe = jnp.where(inside, 1.0 - r * r, 1.0)
    cut = jnp.where(inside, jnp.exp(1.0 - 1.0 / safe), 0.0)
    radial = radial * cut[:, None]
    basis = sh[:, :, None] * radial[:, None, :]
    return basis, radial


def _message_pass(x, basis, radial, dst_idx, src_idx, w_rad, w_deg, num_nodes):
    xs = x[src_idx]
    gate = radial @ w_rad
    msg = xs * gate[:, None, :] + jnp.einsum('elb,bf->elf', basis, w_deg) * xs[:, :1, :]
    return jax.ops.segment_sum(msg, dst_idx, num_segments=num_nodes)


def _message_pass_deg0(x, basis, dst_idx, src_idx, w_rad, num_nodes):
    xs = x[src_idx]
    proj = jnp.einsum('elb,bf->elf', basis, w_rad)
    m = jnp.sum(xs * proj, axis=1)
    return jax.ops.segment_sum(m, dst_idx, num_segments=num_nodes)[:, None, :]


def _gated_silu(y):
    g = jax.nn.sigmoid(y[:, :1, :])
    return jnp.concatenate([jax.nn.silu(y[:, :1, :]), y[:, 1:, :] * g], axis=1)


def _energy(atomic_numbers, positions, dst_idx, src_idx, batch_segments, batch_size, p):
    num_nodes = positions.shape[0]
    basis, radial = _basis_fn(positions, dst_idx, src_idx)
    x = jnp.zeros((num_nodes, NUM_LM, FEATURES), dtype=positions.dtype)
    x = x.at[:, 0, :].set(p['embed'][atomic_numbers])
    for i in range(2):
        y = _message_pass(x, basis, radial, dst_idx, src_idx, p['w_rad'][i], p['w_deg'][i], num_nodes)
        y = x + y
        y = jnp.einsum('elf,fg->elg', y, p['wd1'][i])
        y = y.at[:, 0, :].add(p['bd1'][i])
        y = _gated_silu(y)
        y = jnp.einsum('elf,fg->elg', y, p['wd2'][i])
        x = x + y
    _unused = _message_pass_deg0(x, basis, dst_idx, src_idx, p['w_rad_last'], num_nodes)
    x = x[:, :1, :]
    ae = jnp.einsum('elf,fo->elo', x, p['w_out'])[:, 0, 0]
    ae = ae + p['element_bias'][atomic_numbers]
    energy = jax.ops.segment_sum(ae, batch_segments, num_segments=BATCH_SIZE_STATIC)
    energy = energy + (jnp.asarray(batch_size) * 0).astype(energy.dtype)
    return -jnp.sum(energy), energy


def setup_inputs(seed: int = 0):
    key = jax.random.key(seed)
    ks = jax.random.split(key, 16)
    s = 1.0 / np.sqrt(FEATURES)
    inp = {}
    inp['atomic_numbers'] = jax.random.randint(ks[0], (N_NODES,), 0, MAX_Z + 1)
    inp['positions'] = jax.random.normal(ks[1], (N_NODES, 3), jnp.float32)
    inp['dst_idx'] = jax.random.randint(ks[2], (N_EDGES,), 0, N_NODES)
    inp['src_idx'] = jax.random.randint(ks[3], (N_EDGES,), 0, N_NODES)
    inp['batch_segments'] = jnp.zeros((N_NODES,), jnp.int32)
    inp['batch_size'] = 1
    inp['embed'] = jax.random.normal(ks[4], (MAX_Z + 1, FEATURES), jnp.float32) * s
    inp['w_rad0'] = jax.random.normal(ks[5], (NUM_BASIS, FEATURES), jnp.float32) * s
    inp['w_deg0'] = jax.random.normal(ks[6], (NUM_BASIS, FEATURES), jnp.float32) * s
    inp['wd1_0'] = jax.random.normal(ks[7], (FEATURES, FEATURES), jnp.float32) * s
    inp['bd1_0'] = jnp.zeros((FEATURES,), jnp.float32)
    inp['wd2_0'] = jax.random.normal(ks[8], (FEATURES, FEATURES), jnp.float32) * (0.1 * s)
    inp['w_rad1'] = jax.random.normal(ks[9], (NUM_BASIS, FEATURES), jnp.float32) * s
    inp['w_deg1'] = jax.random.normal(ks[10], (NUM_BASIS, FEATURES), jnp.float32) * s
    inp['wd1_1'] = jax.random.normal(ks[11], (FEATURES, FEATURES), jnp.float32) * s
    inp['bd1_1'] = jnp.zeros((FEATURES,), jnp.float32)
    inp['wd2_1'] = jax.random.normal(ks[12], (FEATURES, FEATURES), jnp.float32) * (0.1 * s)
    inp['w_rad_last'] = jax.random.normal(ks[13], (NUM_BASIS, FEATURES), jnp.float32) * s
    inp['w_out'] = jax.random.normal(ks[14], (FEATURES, 1), jnp.float32) * s
    inp['element_bias'] = jax.random.normal(ks[15], (MAX_Z + 1,), jnp.float32) * 0.01
    return inp


def reference(atomic_numbers, positions, dst_idx, src_idx, batch_segments, batch_size, embed, w_rad0, w_deg0, wd1_0, bd1_0, wd2_0, w_rad1, w_deg1, wd1_1, bd1_1, wd2_1, w_rad_last, w_out, element_bias):
    p = {'embed': embed, 'w_rad': [w_rad0, w_rad1], 'w_deg': [w_deg0, w_deg1], 'wd1': [wd1_0, wd1_1], 'bd1': [bd1_0, bd1_1], 'wd2': [wd2_0, wd2_1], 'w_rad_last': w_rad_last, 'w_out': w_out, 'element_bias': element_bias}

    def energy_fn(pos):
        return _energy(atomic_numbers, pos, dst_idx, src_idx, batch_segments, batch_size, p)

    (_, energy), forces = jax.value_and_grad(energy_fn, has_aux=True)(positions)
    return energy, forces

if __name__ == "__main__":
    import jax
    _d = setup_inputs()
    print(jax.jit(kernel)(*tuple(_d.values())))

</pallas_src>

<mosaic_0001>
#map = affine_map<(d0, d1) -> (0, 0)>
module attributes {stable_mosaic.version = 14 : i64} {
  func.func @k(%arg0: i32, %arg1: i32, %arg2: memref<128x48xf32, #tpu.memory_space<hbm>>, %arg3: memref<96x128xi32, #tpu.memory_space<hbm>>, %arg4: memref<12288x48xf32, #tpu.memory_space<hbm>>, %arg5: memref<3x128xi32, #tpu.memory_space<vmem>>, %arg6: memref<2x640x48xf32, #tpu.memory_space<vmem>>, %arg7: memref<!tpu.dma_semaphore, #tpu.memory_space<semaphore_mem>>, %arg8: memref<!tpu.dma_semaphore, #tpu.memory_space<semaphore_mem>>, %arg9: memref<!tpu.dma_semaphore, #tpu.memory_space<semaphore_mem>>, %arg10: memref<!tpu.dma_semaphore, #tpu.memory_space<semaphore_mem>>) attributes {dimension_semantics = [#tpu.dimension_semantics<core_parallel>, #tpu.dimension_semantics<subcore_parallel>], iteration_bounds = array<i64: 2, 16>, scalar_prefetch = 0 : i64, scratch_operands = 6 : i64, tpu.core_type = #tpu.core_type<sc_vector_subcore>, window_params = [{transform_indices = #map}, {transform_indices = #map}, {transform_indices = #map}]} {
    %mul3A = arith.constant 2 : i32
    %mul3A_0 = arith.muli %arg1, %mul3A : i32
    %add3A = arith.addi %mul3A_0, %arg0 : i32
    %mul3A_1 = arith.constant 3 : i32
    %mul3A_2 = arith.muli %add3A, %mul3A_1 : i32
    "tpu.region"() ({
      %run_scoped3A = tpu.sem_alloc : memref<!tpu.dma_semaphore, #tpu.memory_space<semaphore_mem>>
      %dma_start3A = arith.constant 0 : i32
      %dma_start3A_9 = tpu.memref_slice %arg3[%mul3A_2, %dma_start3A] : memref<96x128xi32, #tpu.memory_space<hbm>> -> memref<3x128xi32, #tpu.memory_space<hbm>>
      %dma_start3A_10 = arith.constant 0 : i32
      %dma_start3A_11 = tpu.memref_slice %arg3[%mul3A_2, %dma_start3A_10] : memref<96x128xi32, #tpu.memory_space<hbm>> -> memref<3x128xi32, #tpu.memory_space<hbm>>
      tpu.enqueue_dma source(%dma_start3A_11 : memref<3x128xi32, #tpu.memory_space<hbm>>) target(%arg5 : memref<3x128xi32, #tpu.memory_space<vmem>>) target_semaphore(%run_scoped3A : memref<!tpu.dma_semaphore, #tpu.memory_space<semaphore_mem>>)
      %dma_wait3A = arith.constant 0 : i32
      %dma_wait3A_12 = tpu.memref_slice %arg3[%mul3A_2, %dma_wait3A] : memref<96x128xi32, #tpu.memory_space<hbm>> -> memref<3x128xi32, #tpu.memory_space<hbm>>
      %dma_wait3A_13 = arith.constant 0 : i32
      %dma_wait3A_14 = tpu.memref_slice %arg3[%mul3A_2, %dma_wait3A_13] : memref<96x128xi32, #tpu.memory_space<hbm>> -> memref<3x128xi32, #tpu.memory_space<hbm>>
      tpu.wait_dma2 semaphore(%run_scoped3A : memref<!tpu.dma_semaphore, #tpu.memory_space<semaphore_mem>>) src(%dma_wait3A_14 : memref<3x128xi32, #tpu.memory_space<hbm>>) dst(%arg5 : memref<3x128xi32, #tpu.memory_space<vmem>>)
      tpu.yield
    }) : () -> ()
    %scan3A = arith.constant 0 : i32
    %scan3A_3 = arith.constant 0 : i32
    %scan3A_4 = arith.constant 3 : i32
    %scan3A_5 = arith.addi %scan3A_3, %scan3A_4 : i32
    %scan3A_6 = arith.constant 1 : i32
    %scan3A_7 = scf.for %scan3A_9 = %scan3A_3 to %scan3A_5 step %scan3A_6 iter_args(%scan3A_10 = %scan3A) -> (i32)  : i32 {
      %dma_start3A = arith.constant 0 : i32
      %dma_start3A_11 = arith.constant 0 : i32
      %dma_start3A_12 = arith.constant 0 : i32
      %dma_start3A_13 = tpu.memref_slice %arg6[%dma_start3A, %dma_start3A_11, %dma_start3A_12] : memref<2x640x48xf32, #tpu.memory_space<vmem>> -> memref<1x128x48xf32, #tpu.memory_space<vmem>>
      %dma_start3A_14 = tpu.memref_squeeze %dma_start3A_13 : memref<1x128x48xf32, #tpu.memory_space<vmem>> -> memref<128x48xf32, #tpu.memory_space<vmem>>
      %dma_start3A_15 = arith.constant 0 : i32
      %dma_start3A_16 = tpu.memref_slice %arg5[%scan3A_9, %dma_start3A_15] : memref<3x128xi32, #tpu.memory_space<vmem>> -> memref<1x128xi32, #tpu.memory_space<vmem>>
      %dma_start3A_17 = tpu.memref_squeeze %dma_start3A_16 : memref<1x128xi32, #tpu.memory_space<vmem>> -> memref<128xi32, #tpu.memory_space<vmem>>
      %dma_start3A_18 = arith.constant 0 : i32
      %dma_start3A_19 = arith.constant 0 : i32
      %dma_start3A_20 = tpu.memref_slice %arg2[%dma_start3A_18, %dma_start3A_19] : memref<128x48xf32, #tpu.memory_space<hbm>> -> memref<128x48xf32, #tpu.memory_space<hbm>>
      tpu.enqueue_indirect_dma source(%dma_start3A_20 : memref<128x48xf32, #tpu.memory_space<hbm>>) target(%dma_start3A_14 : memref<128x48xf32, #tpu.memory_space<vmem>>) offsets(%dma_start3A_17 : memref<128xi32, #tpu.memory_space<vmem>>) semaphore(%arg7 : memref<!tpu.dma_semaphore, #tpu.memory_space<semaphore_mem>>)
      %dma_wait3A = arith.constant 0 : i32
      %dma_wait3A_21 = arith.constant 0 : i32
      %dma_wait3A_22 = arith.constant 0 : i32
      %dma_wait3A_23 = tpu.memref_slice %arg6[%dma_wait3A, %dma_wait3A_21, %dma_wait3A_22] : memref<2x640x48xf32, #tpu.memory_space<vmem>> -> memref<1x128x48xf32, #tpu.memory_space<vmem>>
      %dma_wait3A_24 = tpu.memref_squeeze %dma_wait3A_23 : memref<1x128x48xf32, #tpu.memory_space<vmem>> -> memref<128x48xf32, #tpu.memory_space<vmem>>
      %dma_wait3A_25 = arith.constant 0 : i32
      %dma_wait3A_26 = tpu.memref_slice %arg5[%scan3A_9, %dma_wait3A_25] : memref<3x128xi32, #tpu.memory_space<vmem>> -> memref<1x128xi32, #tpu.memory_space<vmem>>
      %dma_wait3A_27 = tpu.memref_squeeze %dma_wait3A_26 : memref<1x128xi32, #tpu.memory_space<vmem>> -> memref<128xi32, #tpu.memory_space<vmem>>
      %dma_wait3A_28 = arith.constant 0 : i32
      %dma_wait3A_29 = arith.constant 0 : i32
      %dma_wait3A_30 = tpu.memref_slice %arg2[%dma_wait3A_28, %dma_wait3A_29] : memref<128x48xf32, #tpu.memory_space<hbm>> -> memref<128x48xf32, #tpu.memory_space<hbm>>
      tpu.wait_indirect_dma semaphore(%arg7 : memref<!tpu.dma_semaphore, #tpu.memory_space<semaphore_mem>>) src(%dma_wait3A_30 : memref<128x48xf32, #tpu.memory_space<hbm>>) dst(%dma_wait3A_24 : memref<128x48xf32, #tpu.memory_space<vmem>>)
      %add3A_31 = arith.addi %mul3A_2, %scan3A_9 : i32
      %mul3A_32 = arith.constant 128 : i32
      %mul3A_33 = arith.muli %add3A_31, %mul3A_32 : i32
      %run_scoped3A = arith.constant 0 : i32
      "tpu.region"() ({
        %run_scoped3A_35 = tpu.sem_alloc : memref<!tpu.dma_semaphore, #tpu.memory_space<semaphore_mem>>
        %dma_start3A_36 = arith.constant 0 : i32
        %dma_start3A_37 = arith.constant 0 : i32
        %dma_start3A_38 = tpu.memref_slice %arg6[%run_scoped3A, %dma_start3A_36, %dma_start3A_37] : memref<2x640x48xf32, #tpu.memory_space<vmem>> -> memref<1x128x48xf32, #tpu.memory_space<vmem>>
        %dma_start3A_39 = tpu.memref_squeeze %dma_start3A_38 : memref<1x128x48xf32, #tpu.memory_space<vmem>> -> memref<128x48xf32, #tpu.memory_space<vmem>>
        %dma_start3A_40 = arith.constant 0 : i32
        %dma_start3A_41 = tpu.memref_slice %arg4[%mul3A_33, %dma_start3A_40] : memref<12288x48xf32, #tpu.memory_space<hbm>> -> memref<128x48xf32, #tpu.memory_space<hbm>>
        %dma_start3A_42 = arith.constant 0 : i32
        %dma_start3A_43 = tpu.memref_slice %arg4[%mul3A_33, %dma_start3A_42] : memref<12288x48xf32, #tpu.memory_space<hbm>> -> memref<128x48xf32, #tpu.memory_space<hbm>>
        %dma_start3A_44 = arith.constant 0 : i32
        %dma_start3A_45 = arith.constant 0 : i32
        %dma_start3A_46 = tpu.memref_slice %arg6[%run_scoped3A, %dma_start3A_44, %dma_start3A_45] : memref<2x640x48xf32, #tpu.memory_space<vmem>> -> memref<1x128x48xf32, #tpu.memory_space<vmem>>
        %dma_start3A_47 = tpu.memref_squeeze %dma_start3A_46 : memref<1x128x48xf32, #tpu.memory_space<vmem>> -> memref<128x48xf32, #tpu.memory_space<vmem>>
        tpu.enqueue_dma source(%dma_start3A_47 : memref<128x48xf32, #tpu.memory_space<vmem>>) target(%dma_start3A_43 : memref<128x48xf32, #tpu.memory_space<hbm>>) target_semaphore(%run_scoped3A_35 : memref<!tpu.dma_semaphore, #tpu.memory_space<semaphore_mem>>)
        %dma_wait3A_48 = arith.constant 0 : i32
        %dma_wait3A_49 = arith.constant 0 : i32
        %dma_wait3A_50 = tpu.memref_slice %arg6[%run_scoped3A, %dma_wait3A_48, %dma_wait3A_49] : memref<2x640x48xf32, #tpu.memory_space<vmem>> -> memref<1x128x48xf32, #tpu.memory_space<vmem>>
        %dma_wait3A_51 = tpu.memref_squeeze %dma_wait3A_50 : memref<1x128x48xf32, #tpu.memory_space<vmem>> -> memref<128x48xf32, #tpu.memory_space<vmem>>
        %dma_wait3A_52 = arith.constant 0 : i32
        %dma_wait3A_53 = tpu.memref_slice %arg4[%mul3A_33, %dma_wait3A_52] : memref<12288x48xf32, #tpu.memory_space<hbm>> -> memref<128x48xf32, #tpu.memory_space<hbm>>
        %dma_wait3A_54 = arith.constant 0 : i32
        %dma_wait3A_55 = tpu.memref_slice %arg4[%mul3A_33, %dma_wait3A_54] : memref<12288x48xf32, #tpu.memory_space<hbm>> -> memref<128x48xf32, #tpu.memory_space<hbm>>
        %dma_wait3A_56 = arith.constant 0 : i32
        %dma_wait3A_57 = arith.constant 0 : i32
        %dma_wait3A_58 = tpu.memref_slice %arg6[%run_scoped3A, %dma_wait3A_56, %dma_wait3A_57] : memref<2x640x48xf32, #tpu.memory_space<vmem>> -> memref<1x128x48xf32, #tpu.memory_space<vmem>>
        %dma_wait3A_59 = tpu.memref_squeeze %dma_wait3A_58 : memref<1x128x48xf32, #tpu.memory_space<vmem>> -> memref<128x48xf32, #tpu.memory_space<vmem>>
        tpu.wait_dma2 semaphore(%run_scoped3A_35 : memref<!tpu.dma_semaphore, #tpu.memory_space<semaphore_mem>>) src(%dma_wait3A_59 : memref<128x48xf32, #tpu.memory_space<vmem>>) dst(%dma_wait3A_55 : memref<128x48xf32, #tpu.memory_space<hbm>>)
        tpu.yield
      }) : () -> ()
      %scan3A_34 = arith.constant 0 : i32
      scf.yield %scan3A_34 : i32
    }
    %scan3A_8 = arith.constant 3 : i32
    return
  }
}

</mosaic_0001>

<sc_bundles>
// kernel: sc_gather.3.cloned.1.call-start
scs
__scs_entry_jumppad:
0x0: {  	(pc) =	sbr.rel $0x88, $3  }
0x1: {  	(tag) =	ssettag $0x0;
	lr =	simm.s32 $0x1  }
0x2: {  	[smem:$0x3F9F] =	sst lr;
	_ =	strace $0xD0000000  }
0x3: {  	_ = 	snop  }
0x4: {  	_ = 	snop  }
0x5: {  	_ = 	snop  }
0x6: {  	_ = 	snop  }
0x7: {  	_ = 	snop  }
__scs_overlays_trampoline_lowered:
0x8: {  	[smem:$0x3FAE] =	sst s0  }
0x9: {  	[smem:$0x3FAF] =	sst s1  }
0xa: {  	[smem:$0x3FB0] =	sst s2  }
0xb: {  	[smem:$0x3FB1] =	sst s3  }
0xc: {  	[smem:$0x3FB2] =	sst s4  }
0xd: {  	[smem:$0x3FB3] =	sst s5  }
0xe: {  	[smem:$0x3FB4] =	sst s6  }
0xf: {  	[smem:$0x3FB5] =	sst s7  }
0x10: {  	[smem:$0x3FB6] =	sst s8  }
0x11: {  	[smem:$0x3FB7] =	sst s9;
	s0 =	simm.s32 @!p0 $0x0  }
0x12: {  	s1 =	sld [smem:$0x3F9D];
	s0 =	simm.s32 @p0 $0x1  }
0x13: {  	[smem:$0x3FB8] =	sst s0;
	s0 =	simm.s32 @!p1 $0x0  }
0x14: {  	s2 =	sld [smem:$0x3F9C];
	s0 =	simm.s32 @p1 $0x1  }
0x15: {  	[smem:$0x3FB9] =	sst s0;
	s0 =	simm.s32 @!p2 $0x0  }
0x16: {  	s3 =	sld [smem:$0x3FDB];
	s0 =	simm.s32 @p2 $0x1  }
0x17: {  	s4 =	simm.s32 $0x1BF5;
	[smem:$0x3FBB] =	sst s0  }
0x18: {  	s0 =	sld [smem:$0x3F9E];
	_ =	swait.ge [sflag:s4], $0x0  }
0x19: {  	s7 =	sld [smem:$0x3F9F]  }
0x1a: {  	s8 =	sadd.s32 $0xFFFFE003, lr  }
0x1b: {  	s9 =	sadd.s32 $0xFFFFFEF7, lr;
	s5 =	simm.s32 $0xFFFFFFFF;
	p2 =	slt.u32 s8, $0xFFFFF086  }
0x1c: {  	p1 =	slt.u32 s9, $0xF7A;
	s5 =	simm.s32 @!p2 $0x0  }
0x1d: {  	s5 =	simm.s32 @p1 $0x1;
	p0 =	seq.s32 s7, s2  }
0x1e: {  	s7 =	smul.u32 @!p0 $0xF7A, s2;
	p2 =	seq.s32 @!p0 s5, $0x0  }
0x1f: {  	s9 =	smul.u32 $0xF7A, s1;
	s8 =	simm.s32 @!p0 $0x1BF5;
	p2 =	por !p2, p0  }
0x20: {  	[sflag:s8] =	ssyncset.s32 @!p0 $0xFFFFF086;
	s6 =	sadd.s32 @!p0 s3, s7;
	s7 =	simm.s32 @!p0 $0x108  }
0x21: {  	s3 =	sadd.s32 s3, s9;
	s6 =	sadd.s32 @!p0 $0x88, s6;
	s7 =	simm.s32 @p2 $0x1082  }
0x22: {  	[simem:s7], [sflag:s8] =	dma.local @!p0 [hbm:s6], $0xF7A  }
0x23: {  	s9 =	sor.u32 $0xD0000000, s2;
	s6 =	simm.s32 $0x108;
	_ =	swait.ge @!p0 [sflag:s8], $0x0  }
0x24: {  	s3 =	sadd.s32 $0x88, s3;
	s6 =	simm.s32 @!p1 $0x1082;
	[sflag:s4] =	ssyncset.s32 $0xFFFFF086  }
0x25: {  	[simem:s6], [sflag:s4] =	dma.local [hbm:s3], $0xF7A  }
0x26: {  	[smem:$0x3F9F] =	sst s1;
	(tag) =	ssettag s2;
	_ =	strace s9  }
0x27: {  	s1 =	sld [smem:$0x3FAF]  }
0x28: {  	s2 =	sld [smem:$0x3FB0]  }
0x29: {  	s4 =	sld [smem:$0x3FB2]  }
0x2a: {  	p0 =	seq.s32 s5, $0x0;
	s5 =	sld [smem:$0x3FB3]  }
0x2b: {  	s6 =	sld [smem:$0x3FB4]  }
0x2c: {  	s7 =	sld [smem:$0x3FB5]  }
0x2d: {  	s3 =	simm.s32 $0x108;
	s8 =	sld [smem:$0x3FB6]  }
0x2e: {  	s3 =	simm.s32 @!p0 $0x1082;
	s9 =	sld [smem:$0x3FB7]  }
0x2f: {  	lr =	sadd.s32 s0, s3;
	s0 =	sld [smem:$0x3FAE]  }
0x30: {  	s3 =	sld [smem:$0x3FB1]  }
0x31: {  	[smem:$0x3FBA] =	sst s10  }
0x32: {  	s10 =	sld [smem:$0x3FB8];
	_ =	sdelay $0x3  }
0x33: {  	p0 =	seq.s32 s10, $0x1;
	s10 =	sld [smem:$0x3FBA];
	_ =	sdelay $0x3  }
0x34: {  	[smem:$0x3FBA] =	sst s10  }
0x35: {  	s10 =	sld [smem:$0x3FB9];
	_ =	sdelay $0x3  }
0x36: {  	p1 =	seq.s32 s10, $0x1;
	s10 =	sld [smem:$0x3FBA];
	_ =	sdelay $0x3  }
0x37: {  	[smem:$0x3FBA] =	sst s10  }
0x38: {  	s10 =	sld [smem:$0x3FBB]  }
0x39: {  	_ = 	snop;
	(pc) =	sbr.ind lr, $3  }
0x3a: {  	_ = 	snop  }
0x3b: {  	_ = 	snop  }
0x3c: {  	p2 =	seq.s32 s10, $0x1;
	s10 =	sld [smem:$0x3FBA]  }
0x3d: {  	_ =	shalt  }
0x3e: {  	_ =	shalt  }
0x3f: {  	_ =	shalt  }
0x40: {  	_ =	shalt  }
0x41: {  	_ =	shalt  }
0x42: {  	_ =	shalt  }
0x43: {  	_ =	shalt  }
0x44: {  	_ =	shalt  }
0x45: {  	_ =	shalt  }
0x46: {  	_ =	shalt  }
0x47: {  	_ =	shalt  }
0x48: {  	_ =	shalt  }
0x49: {  	_ =	shalt  }
0x4a: {  	_ =	shalt  }
0x4b: {  	_ =	shalt  }
0x4c: {  	_ =	shalt  }
0x4d: {  	_ =	shalt  }
0x4e: {  	_ =	shalt  }
0x4f: {  	_ =	shalt  }
0x50: {  	_ =	shalt  }
0x51: {  	_ =	shalt  }
0x52: {  	_ =	shalt  }
0x53: {  	_ =	shalt  }
0x54: {  	_ =	shalt  }
0x55: {  	_ =	shalt  }
0x56: {  	_ =	shalt  }
0x57: {  	_ =	shalt  }
0x58: {  	_ =	shalt  }
0x59: {  	_ =	shalt  }
0x5a: {  	_ =	shalt  }
0x5b: {  	_ =	shalt  }
0x5c: {  	_ =	shalt  }
0x5d: {  	_ =	shalt  }
0x5e: {  	_ =	shalt  }
0x5f: {  	_ =	shalt  }
0x60: {  	_ =	shalt  }
0x61: {  	_ =	shalt  }
0x62: {  	_ =	shalt  }
0x63: {  	_ =	shalt  }
0x64: {  	_ =	shalt  }
0x65: {  	_ =	shalt  }
0x66: {  	_ =	shalt  }
0x67: {  	_ =	shalt  }
0x68: {  	_ =	shalt  }
0x69: {  	_ =	shalt  }
0x6a: {  	_ =	shalt  }
0x6b: {  	_ =	shalt  }
0x6c: {  	_ =	shalt  }
0x6d: {  	_ =	shalt  }
0x6e: {  	_ =	shalt  }
0x6f: {  	_ =	shalt  }
0x70: {  	_ =	shalt  }
0x71: {  	_ =	shalt  }
0x72: {  	_ =	shalt  }
0x73: {  	_ =	shalt  }
0x74: {  	_ =	shalt  }
0x75: {  	_ =	shalt  }
0x76: {  	_ =	shalt  }
0x77: {  	_ =	shalt  }
0x78: {  	_ =	shalt  }
0x79: {  	_ =	shalt  }
0x7a: {  	_ =	shalt  }
0x7b: {  	_ =	shalt  }
0x7c: {  	_ =	shalt  }
0x7d: {  	_ =	shalt  }
0x7e: {  	_ =	shalt  }
0x7f: {  	_ =	shalt  }
0x80: {  	_ =	shalt  }
0x81: {  	_ =	shalt  }
0x82: {  	_ =	shalt  }
0x83: {  	_ =	shalt  }
0x84: {  	_ =	shalt  }
0x85: {  	_ =	shalt  }
0x86: {  	_ =	shalt  }
0x87: {  	_ =	shalt  }
.Lfunc_end0:
.L_simem_size_0:
called_computation_lowered:
.L_overlay_start_0:
0x88: {  	s2 =	sld [smem:$0x3FD9]  }
0x89: {  	s3 =	sld [smem:$0x3FFE];
	_ =	sdelay $0x1  }
0x8a: {  	s1 =	srdreg.scid  }
0x8b: {  	s0 =	sand.u32 $0x1, s1  }
0x8c: {  	s17 =	sshll.u32 s0, $0xA;
	s2 =	sadd.s32 s3, s2  }
0x8d: {  	s2 =	sadd.s32 s2, s17  }
0x8e: {  	[smem:$0x3FC6] =	sst s2  }
0x8f: {  	_ = 	snop  }
0x90: {  	s2 =	sld [smem:$0x3FC8]  }
0x91: {  	s18 =	sld [smem:$0x3FD0];
	(tm) =	ssettm $0x1  }
0x92: {  	s4 =	sld [smem:$0x3FFB];
	_ =	sdelay $0x3  }
0x93: {  	_ =	strace s4  }
0x94: {  	s4 =	sld [smem:$0x3FFC];
	_ =	sdelay $0x3  }
0x95: {  	_ =	strace s4  }
0x96: {  	s4 =	sld [smem:$0x3FFD];
	_ =	sdelay $0x3  }
0x97: {  	_ =	strace s4  }
0x98: {  	_ =	strace $0x8FFFFFFF  }
0x99: {  	s19 =	sld [smem:$0x3FDB];
	_ =	sdelay $0x1  }
0x9a: {  	s5 =	simm.s32 $_scs_section_size  }
0x9b: {  	s6 =	simm.s32 $_size__tile_overlayer_lowered;
	s7 =	simm.s32 $_tile_overlayer_lowered  }
0x9c: {  	s22 =	simm.s32 $0x1BFF;
	s21 =	sshll.u32 s7, $0x1;
	s4 =	sadd.s32 s5, s19  }
0x9d: {  	s8 =	simm.s32 $0x0;
	s20 =	sshll.u32 s6, $0x1;
	s6 =	sadd.s32 s21, s4  }
0x9e: {  	[timem:s8], [sflag:s22] =	dma.local [hbm:s6], s20  }
0x9f: {  	_ =	swait.ge [sflag:s22], s20  }
0xa0: {  	s5 =	ssub.s32 $0x0, s20;
	[sflag:s22] =	ssyncset.done $0x0  }
0xa1: {  	[sflag:s22] =	ssyncadd.s32 s5;
	_ =	sdelay $0x1  }
0xa2: {  	s23 =	simm.s32 $0x1B8B  }
0xa3: {  	_ =	swait.ge [sflag:s23], $0x1  }
0xa4: {  	[sflag:s23] =	ssyncset.done $0x0  }
0xa5: {  	s25 =	simm.s32 $0x1B8E;
	s24 =	sld [smem:$0x3FFE];
	[sflag:s23] =	ssyncadd.s32 $0xFFFFFFFF  }
0xa6: {  	s26 =	simm.s32 $execute0_lowered;
	[smem:$0x3FD2] =	sst s25  }
0xa7: {  	s6 =	sshll.u32 s26, $0x1;
	_ =	strace $0x80000046;
	[dreg:$0x1] =	wrdreg $0xFFFFFFFF  }
0xa8: {  	s28 =	simm.s32 $_size_execute0_lowered;
	s4 =	sadd.s32 s4, s6;
	[dreg:$0x0] =	wrdreg $0x0  }
0xa9: {  	s6 =	sshll.u32 s28, $0x1;
	[dreg:$0x2] =	wrdreg s4  }
0xaa: {  	[dreg:$0x3] =	wrdreg s6  }
0xab: {  	[dreg:$0x4] =	wrdreg $0xC0  }
0xac: {  	_ =	task [dreg:s8], $0x5FFFF  }
0xad: {  	[dreg:$0x1] =	wrdreg $0xFFFFFFFF  }
0xae: {  	[dreg:$0x0] =	wrdreg $0x60  }
0xaf: {  	[dreg:$0x2] =	wrdreg s24  }
0xb0: {  	[dreg:$0x3] =	wrdreg s2  }
0xb1: {  	[dreg:$0x4] =	wrdreg s18  }
0xb2: {  	[dreg:$0x5] =	wrdreg $0x9  }
0xb3: {  	_ =	task.clear_ibuf [dreg:s8], $0x6FFFF;
	_ =	strace $0x90000046  }
0xb4: {  	s29 =	simm.s32 $0x9;
	_ =	strace $0x80000048  }
0xb5: {  	_ =	swait.ge [sflag:s29], $0x1  }
0xb6: {  	[sflag:s29] =	ssyncadd.s32 $0xFFFFFFFF  }
0xb7: {  	_ =	strace $0x90000048  }
0xb8: {  	_ =	sfence  }
0xb9: {  	s30 =	sld [smem:$0x0];
	_ =	sdelay $0x2  }
0xba: {  	s31 =	sshll.u32 s1, $0xD;
	s1 =	sshrl.u32 s1, $0x2  }
0xbb: {  	s3 =	sand.u32 $0x4000, s31;
	s1 =	sadd.s32 s1, s30  }
0xbc: {  	s0 =	sor.u32 s3, s0;
	s1 =	sshll.u32 s1, $0x11  }
0xbd: {  	s0 =	sor.u32 s1, s0  }
0xbe: {  	s0 =	sadd.s32 $0x8F2B, s0  }
0xbf: {  	[sflag:s0] =	ssyncadd.remote.s32 $0x1  }
0xc0: {  	_ =	sfence.sel $0xFFFF  }
0xc1: {  	[dreg:$0x0] =	wrdreg $0xFFFFFFFF;
	(pc) =	sbr.abs _section_cstart, $3  }
0xc2: {  	[dreg:$0x1] =	wrdreg $0xFFFFFFFF  }
0xc3: {  	_ =	task.clear_ibuf [dreg:s8], $0x2FFFF;
	_ =	strace $0x9FFFFFFF  }
0xc4: {  	(tm) =	ssettm $0x7FFFFFFF  }
0xc5: {  	_ =	shalt  }
tec
execute0_lowered:
.L_overlay_start_1:
0x0: {  	(tag) =	ssettag $0x1  }
0x1: {  	s5 =	rddreg [dreg:$0x0]  }
0x2: {  	s1 =	srdreg.scid;
	s0 =	stileid.u32  }
0x3: {  	s3 =	rddreg [dreg:$0x1];
	s11 =	sand.u32 $0x1, s1;
	s31 =	sshll.u32 s0, $0x1  }
0x4: {  	s9 =	rddreg [dreg:$0x2];
	s10 =	sor.u32 s11, s31  }
0x5: {  	s2 =	simm.s32 $0x0;
	s1 =	rddreg [dreg:$0x3];
	s4 =	smul.u32 $0x30, s10  }
0x6: {  	[smem:$0x7FF] =	sst s2  }
0x7: {  	_ =	strace $0x80000047;
	s4 =	sadd.s32 s3, s4;
	s3 =	simm.s32 $0x2  }
0x8: {  	[tilespmem:s2], [sflag:$0x2] =	stream.linear.gather [hbm4b:s4+s2], $0x180, $0x38;
	[tilespmem:$0xF180] =	vst v63  }
0x9: {  	_ =	swait.ge [sflag:s3], $0x180  }
0xa: {  	s6 =	simm.s32 $0x80;
	s7 =	simm.s32 $0x180;
	[sflag:s3] =	ssyncset.done $0x0  }
0xb: {  	s8 =	simm.s32 $0x1;
	s5 =	sadd.s32 $0x400, s5;
	[sflag:s3] =	ssyncadd.s32 $0xFFFFFE80  }
0xc: {  	[tilespmem:s7], [sflag:$0x1] =	stream.indirect.gather [hbm4b:s5+s6], $0x30, s2, s6, $0xb8;
	[tilespmem:$0xF180] =	vst v63  }
0xd: {  	s10 =	smul.u32 $0x900, s10;
	_ =	swait.ge [sflag:s8], $0x1800  }
0xe: {  	[sflag:s8] =	ssyncset.done $0x0  }
0xf: {  	s9 =	sadd.s32 s9, s10;
	[sflag:s8] =	ssyncadd.s32 $0xFFFFE800  }
0x10: {  	[hbm4b:s9+s2] =	stream.linear.scatter [tilespmem:s7], [sflag:$0x2], $0x1800, $0x38;
	[tilespmem:$0xF180] =	vst v63  }
0x11: {  	_ =	swait.ge [sflag:s3], $0x1800  }
0x12: {  	[sflag:s3] =	ssyncset.done $0x0  }
0x13: {  	[sflag:s3] =	ssyncadd.s32 $0xFFFFE800  }
0x14: {  	[tilespmem:s7], [sflag:$0x1] =	stream.indirect.gather [hbm4b:s5+s6], $0x30, s6, s6, $0xb8;
	[tilespmem:$0xF180] =	vst v63  }
0x15: {  	_ =	swait.ge [sflag:s8], $0x1800  }
0x16: {  	[sflag:s8] =	ssyncset.done $0x0  }
0x17: {  	s12 =	ssub.s32 $0x2, s11;
	s10 =	sadd.s32 $0x300, s9;
	[sflag:s8] =	ssyncadd.s32 $0xFFFFE800  }
0x18: {  	[hbm4b:s10+s2] =	stream.linear.scatter [tilespmem:s7], [sflag:$0x2], $0x1800, $0x38;
	[tilespmem:$0xF180] =	vst v63  }
0x19: {  	s13 =	sshrl.u32 s12, $0x1;
	_ =	swait.ge [sflag:s3], $0x1800  }
0x1a: {  	s12 =	ssub.s32 s12, s13;
	[sflag:s3] =	ssyncset.done $0x0  }
0x1b: {  	s11 =	simm.s32 $0x100;
	s13 =	smax.u32 s12, $0x1;
	[sflag:s3] =	ssyncadd.s32 $0xFFFFE800  }
0x1c: {  	[tilespmem:s7], [sflag:$0x1] =	stream.indirect.gather [hbm4b:s5+s6], $0x30, s11, s6, $0xb8;
	[tilespmem:$0xF180] =	vst v63  }
0x1d: {  	p0 =	sne.s32 s13, $0x1;
	_ =	swait.ge [sflag:s8], $0x1800  }
.Ltmp0:
0x1e: {  	[sflag:s8] =	ssyncset.done $0x0;
	(pc) =	sbr.rel @!p0 .LBB2_2-.Ltmp0, $4  }
0x1f: {  	s12 =	sadd.s32 $0x600, s9;
	[sflag:s8] =	ssyncadd.s32 $0xFFFFE800  }
0x20: {  	[hbm4b:s12+s2] =	stream.linear.scatter [tilespmem:s7], [sflag:$0x2], $0x1800, $0x38;
	[tilespmem:$0xF180] =	vst v63  }
0x21: {  	_ =	swait.ge [sflag:s3], $0x1800  }
0x22: {  	s13 =	sadd.s32 $0xFFFFFFFF, s13;
	[sflag:s3] =	ssyncset.done $0x0  }
.LBB2_1:
0x23: {  	p0 =	sne.s32 s13, $0x1;
	s13 =	sadd.s32 $0xFFFFFFFF, s13;
	[sflag:s3] =	ssyncadd.s32 $0xFFFFE800  }
0x24: {  	[tilespmem:s2], [sflag:$0x2] =	stream.linear.gather [hbm4b:s4+s2], $0x180, $0x38;
	[tilespmem:$0xF180] =	vst v63  }
0x25: {  	_ =	swait.ge [sflag:s3], $0x180  }
0x26: {  	[sflag:s3] =	ssyncset.done $0x0  }
0x27: {  	[sflag:s3] =	ssyncadd.s32 $0xFFFFFE80  }
0x28: {  	[tilespmem:s7], [sflag:$0x1] =	stream.indirect.gather [hbm4b:s5+s6], $0x30, s2, s6, $0xb8;
	[tilespmem:$0xF180] =	vst v63  }
0x29: {  	_ =	swait.ge [sflag:s8], $0x1800  }
0x2a: {  	[sflag:s8] =	ssyncset.done $0x0  }
0x2b: {  	[sflag:s8] =	ssyncadd.s32 $0xFFFFE800  }
0x2c: {  	[hbm4b:s9+s2] =	stream.linear.scatter [tilespmem:s7], [sflag:$0x2], $0x1800, $0x38;
	[tilespmem:$0xF180] =	vst v63  }
0x2d: {  	_ =	swait.ge [sflag:s3], $0x1800  }
0x2e: {  	[sflag:s3] =	ssyncset.done $0x0  }
0x2f: {  	[sflag:s3] =	ssyncadd.s32 $0xFFFFE800  }
0x30: {  	[tilespmem:s7], [sflag:$0x1] =	stream.indirect.gather [hbm4b:s5+s6], $0x30, s6, s6, $0xb8;
	[tilespmem:$0xF180] =	vst v63  }
0x31: {  	_ =	swait.ge [sflag:s8], $0x1800  }
0x32: {  	[sflag:s8] =	ssyncset.done $0x0  }
0x33: {  	[sflag:s8] =	ssyncadd.s32 $0xFFFFE800  }
0x34: {  	[hbm4b:s10+s2] =	stream.linear.scatter [tilespmem:s7], [sflag:$0x2], $0x1800, $0x38;
	[tilespmem:$0xF180] =	vst v63  }
0x35: {  	_ =	swait.ge [sflag:s3], $0x1800  }
0x36: {  	[sflag:s3] =	ssyncset.done $0x0  }
0x37: {  	[sflag:s3] =	ssyncadd.s32 $0xFFFFE800  }
0x38: {  	[tilespmem:s7], [sflag:$0x1] =	stream.indirect.gather [hbm4b:s5+s6], $0x30, s11, s6, $0xb8;
	[tilespmem:$0xF180] =	vst v63  }
0x39: {  	_ =	swait.ge [sflag:s8], $0x1800  }
.Ltmp1:
0x3a: {  	[sflag:s8] =	ssyncset.done $0x0;
	(pc) =	sbr.rel @p0 .LBB2_1-.Ltmp1, $4  }
0x3b: {  	[sflag:s8] =	ssyncadd.s32 $0xFFFFE800  }
0x3c: {  	[hbm4b:s12+s2] =	stream.linear.scatter [tilespmem:s7], [sflag:$0x2], $0x1800, $0x38;
	[tilespmem:$0xF180] =	vst v63  }
0x3d: {  	_ =	swait.ge [sflag:s3], $0x1800  }
0x3e: {  	[sflag:s3] =	ssyncset.done $0x0  }
.LBB2_2:
0x3f: {  	[sflag:s3] =	ssyncadd.s32 $0xFFFFE800  }
0x40: {  	_ =	sfence.sel $0x180000  }
0x41: {  	[bflag:$0x0] =	sbarrier.arrive $0xFFFF  }
0x42: {  	p0 =	sne.s32 s0, $0x0;
	_ =	strace $0x90000047  }
0x43: {  	s0 =	sadd.s32 @!p0 $0x100000, s1;
	[bflag:$0x2] =	sbarrier.arrive $0xFFFF  }
0x44: {  	[sflag:s0] =	ssyncadd.tile.s32 @!p0 $0x1;
	_ =	shalt  }
.Lfunc_end2:
_tile_overlayer_lowered:
.L_overlay_start_2:
0x45: {  	(tag) =	ssettag $0x2  }
0x46: {  	s0 =	rddreg [dreg:$0x0];
	s2 =	stileid.u32  }
0x47: {  	s1 =	rddreg [dreg:$0x1];
	p0 =	sne.s32 s2, $0x0  }
0x48: {  	s3 =	rddreg [dreg:$0x2];
	[bflag:$0x3] =	sbarrier.arrive $0xFFFF;
	s2 =	simm.s32 @!p0 $0x1C02  }
0x49: {  	[timem:s3], [sflag:s2] =	dma.local @!p0 [hbm:s0], s1  }
0x4a: {  	s0 =	simm.s32 @!p0 $0x2  }
0x4b: {  	_ =	swait.ge @!p0 [sflag:s0], s1  }
0x4c: {  	s1 =	ssub.s32 @!p0 $0x0, s1;
	[sflag:s0] =	ssyncset.done @!p0 $0x0  }
0x4d: {  	[sflag:s0] =	ssyncadd.s32 @!p0 s1  }
0x4e: {  	[bflag:$0x3] =	sbarrier.arrive $0xFFFF  }
0x4f: {  	_ =	shalt  }

</sc_bundles>
